<compile_context>
chip_gen: v7x
topology: tpu7x:2x2x1
jax: 0.10.2.dev20260603
libtpu: 0.0.44.dev20260713+nightly
codegen_flags: <defaults>
</compile_context>

<pallas_src>
import functools

import jax
import jax.numpy as jnp
from jax import lax
from jax.experimental import pallas as pl
from jax.experimental.pallas import tpu as pltpu
from jax.experimental.pallas import tpu_sc as plsc

N = 100000
D = 128
B = 512
EPS = 1e-05
R = 2000

NC = 2
NS = 16
NW = NC * NS
KPT = 3136
NP = NW * KPT
BB = 520
R2C = 2048
G2 = NP // R2C

_MESH = plsc.VectorSubcoreMesh(core_axis_name="c", subcore_axis_name="s")


def _pass1_body(x_ref, brow_ref, acc_ref, mean_ref, inv_ref):
    i = pl.program_id(0)
    x = x_ref[...]
    rs = jnp.sum(x, axis=1, keepdims=True)
    rq = jnp.sum(x * x, axis=1, keepdims=True)
    ones = jnp.ones((R, 1), jnp.float32)
    vals = jnp.concatenate([ones, rs, rq, jnp.zeros((R, 1), jnp.float32)],
                           axis=1)
    b_row = brow_ref[0]
    seg_ids = jax.lax.broadcasted_iota(jnp.int32, (B, R), 0)
    ohT = (seg_ids == b_row).astype(jnp.float32)

    @pl.when(i == 0)
    def _init():
        acc_ref[...] = jnp.zeros_like(acc_ref)

    acc_ref[...] += jax.lax.dot(ohT, vals, preferred_element_type=jnp.float32)

    @pl.when(i == pl.num_programs(0) - 1)
    def _finalize():
        acc = acc_ref[...]
        cnt = acc[:, 0:1]
        s = acc[:, 1:2]
        q = acc[:, 2:3]
        norm = jnp.maximum(cnt, 1.0) * float(D)
        mean = s / norm
        var = jnp.maximum(q / norm - mean * mean, 0.0)
        inv = 1.0 / (jnp.sqrt(var) + EPS)
        mean_ref[0:B, :] = mean
        mean_ref[B:BB, :] = jnp.zeros((BB - B, 1), jnp.float32)
        inv_ref[0:B, :] = inv
        inv_ref[B:BB, :] = jnp.zeros((BB - B, 1), jnp.float32)


@functools.partial(
    pl.kernel,
    mesh=_MESH,
    out_type=[jax.ShapeDtypeStruct((NP,), jnp.float32)] * 2,
    scratch_types=[
        pltpu.VMEM((KPT,), jnp.int32),
        pltpu.VMEM((KPT,), jnp.float32),
        pltpu.VMEM((KPT,), jnp.float32),
        pltpu.SemaphoreType.DMA,
    ],
)
def _sc_gather(bflat_hbm, mt_hbm, it_hbm, outm, outi, bidx_v, m_v, i_v, sem):
    cid = lax.axis_index("c")
    sid = lax.axis_index("s")
    wid = sid * NC + cid
    base = wid * KPT
    pltpu.sync_copy(bflat_hbm.at[pl.ds(base, KPT)], bidx_v)
    pltpu.async_copy(mt_hbm.at[bidx_v], m_v, sem).wait()
    pltpu.async_copy(it_hbm.at[bidx_v], i_v, sem).wait()
    pltpu.sync_copy(m_v, outm.at[pl.ds(base, KPT)])
    pltpu.sync_copy(i_v, outi.at[pl.ds(base, KPT)])


def _pass2_body(x_ref, m_ref, i_ref, w_ref, b_ref, out_ref):
    x = x_ref[...]
    m_col = m_ref[0].reshape(R2C, 1)
    i_col = i_ref[0].reshape(R2C, 1)
    out_ref[...] = (x - m_col) * i_col * w_ref[...] + b_ref[...]


@jax.jit
def kernel(x, weight, bias, batch):
    b32 = batch.astype(jnp.int32)
    bp = jnp.pad(b32, (0, NP - N), constant_values=B)
    brow = b32.reshape(N // R, 1, R)
    w2 = weight.reshape(1, D)
    bias2 = bias.reshape(1, D)

    _, meant, invt = pl.pallas_call(
        _pass1_body,
        grid=(N // R,),
        in_specs=[
            pl.BlockSpec((R, D), lambda i: (i, 0)),
            pl.BlockSpec((1, 1, R), lambda i: (i, 0, 0)),
        ],
        out_specs=[
            pl.BlockSpec((B, 4), lambda i: (0, 0)),
            pl.BlockSpec((BB, 1), lambda i: (0, 0)),
            pl.BlockSpec((BB, 1), lambda i: (0, 0)),
        ],
        out_shape=[
            jax.ShapeDtypeStruct((B, 4), jnp.float32),
            jax.ShapeDtypeStruct((BB, 1), jnp.float32),
            jax.ShapeDtypeStruct((BB, 1), jnp.float32),
        ],
    )(x, brow)

    mrow, irow = _sc_gather(bp, meant.reshape(BB), invt.reshape(BB))

    out = pl.pallas_call(
        _pass2_body,
        grid=(G2,),
        in_specs=[
            pl.BlockSpec((R2C, D), lambda i: (i, 0)),
            pl.BlockSpec((1, 1, R2C), lambda i: (i, 0, 0)),
            pl.BlockSpec((1, 1, R2C), lambda i: (i, 0, 0)),
            pl.BlockSpec((1, D), lambda i: (0, 0)),
            pl.BlockSpec((1, D), lambda i: (0, 0)),
        ],
        out_specs=pl.BlockSpec((R2C, D), lambda i: (i, 0)),
        out_shape=jax.ShapeDtypeStruct((N, D), jnp.float32),
    )(x, mrow.reshape(G2, 1, R2C), irow.reshape(G2, 1, R2C), w2, bias2)
    return out

# --- scband reference (transcript-rebuilt; emitter-appended) ---
"""Pipeline reference for scband-graph-layer-norm-40578851012881 (READ-ONLY COPY).

The authoritative reference and input builder live on the scoring server;
editing this copy changes nothing except your own understanding.
"""

import jax, jax.numpy as jnp
import numpy as np

N = 100000
D = 128
B = 512
EPS = 1e-05


def setup_inputs(seed: int = 0) -> dict:
    key = jax.random.key(seed)
    k1, k2 = jax.random.split(key)
    x = jax.random.normal(k1, (N, D), dtype=jnp.float32)
    batch = jnp.sort(jax.random.randint(k2, (N,), 0, B, dtype=jnp.int32)).astype(jnp.int64)
    weight = jnp.ones((D,), dtype=jnp.float32)
    bias = jnp.zeros((D,), dtype=jnp.float32)
    return {"x": x, "weight": weight, "bias": bias, "batch": batch}


def reference(x, weight, bias, batch):
    # per-graph degree (node count), clamped to >= 1, times feature dim
    deg = jax.ops.segment_sum(jnp.ones((x.shape[0],), dtype=x.dtype), batch, num_segments=B)
    norm = jnp.clip(deg, 1.0) * x.shape[-1]
    norm = norm[:, None]
    # per-graph mean over all nodes and all features
    mean = jnp.sum(jax.ops.segment_sum(x, batch, num_segments=B), axis=-1, keepdims=True) / norm
    xc = x - mean[batch]
    # per-graph variance
    var = jnp.sum(jax.ops.segment_sum(xc * xc, batch, num_segments=B), axis=-1, keepdims=True) / norm
    out = xc / (jnp.sqrt(var)[batch] + EPS)
    out = out * weight + bias
    return out

if __name__ == "__main__":
    import jax
    _d = setup_inputs()
    print(jax.jit(kernel)(*tuple(_d.values())))

</pallas_src>

<mosaic_0001>
#map = affine_map<(d0, d1) -> (0)>
module attributes {stable_mosaic.version = 14 : i64} {
  func.func @_sc_gather(%arg0: i32, %arg1: i32, %arg2: memref<100352xi32, #tpu.memory_space<hbm>>, %arg3: memref<520xf32, #tpu.memory_space<hbm>>, %arg4: memref<520xf32, #tpu.memory_space<hbm>>, %arg5: memref<100352xf32, #tpu.memory_space<hbm>>, %arg6: memref<100352xf32, #tpu.memory_space<hbm>>, %arg7: memref<3136xi32, #tpu.memory_space<vmem>>, %arg8: memref<3136xf32, #tpu.memory_space<vmem>>, %arg9: memref<3136xf32, #tpu.memory_space<vmem>>, %arg10: memref<!tpu.dma_semaphore, #tpu.memory_space<semaphore_mem>>) attributes {dimension_semantics = [#tpu.dimension_semantics<core_parallel>, #tpu.dimension_semantics<subcore_parallel>], iteration_bounds = array<i64: 2, 16>, scalar_prefetch = 0 : i64, scratch_operands = 4 : i64, tpu.core_type = #tpu.core_type<sc_vector_subcore>, window_params = [{transform_indices = #map}, {transform_indices = #map}, {transform_indices = #map}, {transform_indices = #map}, {transform_indices = #map}]} {
    %mul3A = arith.constant 2 : i32
    %mul3A_0 = arith.muli %arg1, %mul3A : i32
    %add3A = arith.addi %mul3A_0, %arg0 : i32
    %mul3A_1 = arith.constant 3136 : i32
    %mul3A_2 = arith.muli %add3A, %mul3A_1 : i32
    "tpu.region"() ({
      %run_scoped3A = tpu.sem_alloc : memref<!tpu.dma_semaphore, #tpu.memory_space<semaphore_mem>>
      %dma_start3A_9 = tpu.memref_slice %arg2[%mul3A_2] : memref<100352xi32, #tpu.memory_space<hbm>> -> memref<3136xi32, #tpu.memory_space<hbm>>
      %dma_start3A_10 = tpu.memref_slice %arg2[%mul3A_2] : memref<100352xi32, #tpu.memory_space<hbm>> -> memref<3136xi32, #tpu.memory_space<hbm>>
      tpu.enqueue_dma source(%dma_start3A_10 : memref<3136xi32, #tpu.memory_space<hbm>>) target(%arg7 : memref<3136xi32, #tpu.memory_space<vmem>>) target_semaphore(%run_scoped3A : memref<!tpu.dma_semaphore, #tpu.memory_space<semaphore_mem>>)
      %dma_wait3A_11 = tpu.memref_slice %arg2[%mul3A_2] : memref<100352xi32, #tpu.memory_space<hbm>> -> memref<3136xi32, #tpu.memory_space<hbm>>
      %dma_wait3A_12 = tpu.memref_slice %arg2[%mul3A_2] : memref<100352xi32, #tpu.memory_space<hbm>> -> memref<3136xi32, #tpu.memory_space<hbm>>
      tpu.wait_dma2 semaphore(%run_scoped3A : memref<!tpu.dma_semaphore, #tpu.memory_space<semaphore_mem>>) src(%dma_wait3A_12 : memref<3136xi32, #tpu.memory_space<hbm>>) dst(%arg7 : memref<3136xi32, #tpu.memory_space<vmem>>)
      tpu.yield
    }) : () -> ()
    %dma_start3A = arith.constant 0 : i32
    %dma_start3A_3 = tpu.memref_slice %arg3[%dma_start3A] : memref<520xf32, #tpu.memory_space<hbm>> -> memref<520xf32, #tpu.memory_space<hbm>>
    tpu.enqueue_indirect_dma source(%dma_start3A_3 : memref<520xf32, #tpu.memory_space<hbm>>) target(%arg8 : memref<3136xf32, #tpu.memory_space<vmem>>) offsets(%arg7 : memref<3136xi32, #tpu.memory_space<vmem>>) semaphore(%arg10 : memref<!tpu.dma_semaphore, #tpu.memory_space<semaphore_mem>>)
    %dma_wait3A = arith.constant 0 : i32
    %dma_wait3A_4 = tpu.memref_slice %arg3[%dma_wait3A] : memref<520xf32, #tpu.memory_space<hbm>> -> memref<520xf32, #tpu.memory_space<hbm>>
    tpu.wait_indirect_dma semaphore(%arg10 : memref<!tpu.dma_semaphore, #tpu.memory_space<semaphore_mem>>) src(%dma_wait3A_4 : memref<520xf32, #tpu.memory_space<hbm>>) dst(%arg8 : memref<3136xf32, #tpu.memory_space<vmem>>)
    %dma_start3A_5 = arith.constant 0 : i32
    %dma_start3A_6 = tpu.memref_slice %arg4[%dma_start3A_5] : memref<520xf32, #tpu.memory_space<hbm>> -> memref<520xf32, #tpu.memory_space<hbm>>
    tpu.enqueue_indirect_dma source(%dma_start3A_6 : memref<520xf32, #tpu.memory_space<hbm>>) target(%arg9 : memref<3136xf32, #tpu.memory_space<vmem>>) offsets(%arg7 : memref<3136xi32, #tpu.memory_space<vmem>>) semaphore(%arg10 : memref<!tpu.dma_semaphore, #tpu.memory_space<semaphore_mem>>)
    %dma_wait3A_7 = arith.constant 0 : i32
    %dma_wait3A_8 = tpu.memref_slice %arg4[%dma_wait3A_7] : memref<520xf32, #tpu.memory_space<hbm>> -> memref<520xf32, #tpu.memory_space<hbm>>
    tpu.wait_indirect_dma semaphore(%arg10 : memref<!tpu.dma_semaphore, #tpu.memory_space<semaphore_mem>>) src(%dma_wait3A_8 : memref<520xf32, #tpu.memory_space<hbm>>) dst(%arg9 : memref<3136xf32, #tpu.memory_space<vmem>>)
    "tpu.region"() ({
      %run_scoped3A = tpu.sem_alloc : memref<!tpu.dma_semaphore, #tpu.memory_space<semaphore_mem>>
      %dma_start3A_9 = tpu.memref_slice %arg5[%mul3A_2] : memref<100352xf32, #tpu.memory_space<hbm>> -> memref<3136xf32, #tpu.memory_space<hbm>>
      %dma_start3A_10 = tpu.memref_slice %arg5[%mul3A_2] : memref<100352xf32, #tpu.memory_space<hbm>> -> memref<3136xf32, #tpu.memory_space<hbm>>
      tpu.enqueue_dma source(%arg8 : memref<3136xf32, #tpu.memory_space<vmem>>) target(%dma_start3A_10 : memref<3136xf32, #tpu.memory_space<hbm>>) target_semaphore(%run_scoped3A : memref<!tpu.dma_semaphore, #tpu.memory_space<semaphore_mem>>)
      %dma_wait3A_11 = tpu.memref_slice %arg5[%mul3A_2] : memref<100352xf32, #tpu.memory_space<hbm>> -> memref<3136xf32, #tpu.memory_space<hbm>>
      %dma_wait3A_12 = tpu.memref_slice %arg5[%mul3A_2] : memref<100352xf32, #tpu.memory_space<hbm>> -> memref<3136xf32, #tpu.memory_space<hbm>>
      tpu.wait_dma2 semaphore(%run_scoped3A : memref<!tpu.dma_semaphore, #tpu.memory_space<semaphore_mem>>) src(%arg8 : memref<3136xf32, #tpu.memory_space<vmem>>) dst(%dma_wait3A_12 : memref<3136xf32, #tpu.memory_space<hbm>>)
      tpu.yield
    }) : () -> ()
    "tpu.region"() ({
      %run_scoped3A = tpu.sem_alloc : memref<!tpu.dma_semaphore, #tpu.memory_space<semaphore_mem>>
      %dma_start3A_9 = tpu.memref_slice %arg6[%mul3A_2] : memref<100352xf32, #tpu.memory_space<hbm>> -> memref<3136xf32, #tpu.memory_space<hbm>>
      %dma_start3A_10 = tpu.memref_slice %arg6[%mul3A_2] : memref<100352xf32, #tpu.memory_space<hbm>> -> memref<3136xf32, #tpu.memory_space<hbm>>
      tpu.enqueue_dma source(%arg9 : memref<3136xf32, #tpu.memory_space<vmem>>) target(%dma_start3A_10 : memref<3136xf32, #tpu.memory_space<hbm>>) target_semaphore(%run_scoped3A : memref<!tpu.dma_semaphore, #tpu.memory_space<semaphore_mem>>)
      %dma_wait3A_11 = tpu.memref_slice %arg6[%mul3A_2] : memref<100352xf32, #tpu.memory_space<hbm>> -> memref<3136xf32, #tpu.memory_space<hbm>>
      %dma_wait3A_12 = tpu.memref_slice %arg6[%mul3A_2] : memref<100352xf32, #tpu.memory_space<hbm>> -> memref<3136xf32, #tpu.memory_space<hbm>>
      tpu.wait_dma2 semaphore(%run_scoped3A : memref<!tpu.dma_semaphore, #tpu.memory_space<semaphore_mem>>) src(%arg9 : memref<3136xf32, #tpu.memory_space<vmem>>) dst(%dma_wait3A_12 : memref<3136xf32, #tpu.memory_space<hbm>>)
      tpu.yield
    }) : () -> ()
    return
  }
}

module attributes {stable_mosaic.version = 14 : i64} {
  func.func @_pass1_body(%arg0: i32, %arg1: memref<2000x128xf32, #tpu.memory_space<vmem>>, %arg2: memref<1x1x2000xi32, #tpu.memory_space<vmem>>, %arg3: memref<512x4xf32, #tpu.memory_space<vmem>>, %arg4: memref<520x1xf32, #tpu.memory_space<vmem>>, %arg5: memref<520x1xf32, #tpu.memory_space<vmem>>) attributes {dimension_semantics = [#tpu.dimension_semantics<arbitrary>], iteration_bounds = array<i64: 50>, scalar_prefetch = 0 : i64, scratch_operands = 0 : i64, tpu.core_type = #tpu.core_type<tc>, window_params = [{transform_indices = @transform_0, window_bounds = array<i64: 2000, 128>}, {transform_indices = @transform_1, window_bounds = array<i64: 1, 1, 2000>}, {pipeline_mode = #tpu.pipeline_mode<synchronous>, transform_indices = @transform_2, window_bounds = array<i64: 512, 4>}, {pipeline_mode = #tpu.pipeline_mode<synchronous>, transform_indices = @transform_3, window_bounds = array<i64: 520, 1>}, {pipeline_mode = #tpu.pipeline_mode<synchronous>, transform_indices = @transform_4, window_bounds = array<i64: 520, 1>}]} {
    %get3A = arith.constant 0 : index
    %get3A_0 = arith.constant 0 : index
    %get3A_1 = vector.load %arg1[%get3A, %get3A_0] : memref<2000x128xf32, #tpu.memory_space<vmem>>, vector<2000x128xf32>
    %reduce_sum3A = arith.constant dense<0.000000e+00> : vector<2000xf32>
    %reduce_sum3A_2 = vector.multi_reduction <add>, %get3A_1, %reduce_sum3A [1] : vector<2000x128xf32> to vector<2000xf32>
    %broadcast_in_dim3A = vector.shape_cast %reduce_sum3A_2 : vector<2000xf32> to vector<2000x1xf32>
    %mul3A = arith.mulf %get3A_1, %get3A_1 : vector<2000x128xf32>
    %reduce_sum3A_3 = arith.constant dense<0.000000e+00> : vector<2000xf32>
    %reduce_sum3A_4 = vector.multi_reduction <add>, %mul3A, %reduce_sum3A_3 [1] : vector<2000x128xf32> to vector<2000xf32>
    %broadcast_in_dim3A_5 = vector.shape_cast %reduce_sum3A_4 : vector<2000xf32> to vector<2000x1xf32>
    %broadcast_in_dim3A_6 = arith.constant 1.000000e+00 : f32
    %broadcast_in_dim3A_7 = vector.broadcast %broadcast_in_dim3A_6 : f32 to vector<2000x1xf32>
    %broadcast_in_dim3A_8 = arith.constant 0.000000e+00 : f32
    %broadcast_in_dim3A_9 = vector.broadcast %broadcast_in_dim3A_8 : f32 to vector<2000x1xf32>
    %concatenate3A = tpu.concatenate %broadcast_in_dim3A_7, %broadcast_in_dim3A, %broadcast_in_dim3A_5, %broadcast_in_dim3A_9 in 1 : vector<2000x1xf32>, vector<2000x1xf32>, vector<2000x1xf32>, vector<2000x1xf32> -> vector<2000x4xf32>
    %get3A_10 = arith.constant 0 : index
    %get3A_11 = arith.constant 0 : index
    %get3A_12 = arith.constant 0 : index
    %get3A_13 = vector.load %arg2[%get3A_10, %get3A_11, %get3A_12] : memref<1x1x2000xi32, #tpu.memory_space<vmem>>, vector<1x1x2000xi32>
    %get3A_14 = vector.shape_cast %get3A_13 : vector<1x1x2000xi32> to vector<1x2000xi32>
    %iota3A = tpu.iota {dimensions = array<i32: 0>} : vector<512x2000xi32>
    %eq3A = vector.broadcast %get3A_14 : vector<1x2000xi32> to vector<512x2000xi32>
    %eq3A_15 = arith.cmpi eq, %iota3A, %eq3A : vector<512x2000xi32>
    %convert_element_type3A = arith.extui %eq3A_15 : vector<512x2000xi1> to vector<512x2000xi32>
    %convert_element_type3A_16 = arith.sitofp %convert_element_type3A : vector<512x2000xi32> to vector<512x2000xf32>
    %eq3A_17 = arith.constant 0 : i32
    %eq3A_18 = arith.cmpi eq, %arg0, %eq3A_17 : i32
    %convert_element_type3A_19 = arith.extui %eq3A_18 : i1 to i32
    %cond3A = arith.constant 0 : i32
    %cond3A_20 = arith.cmpi ne, %convert_element_type3A_19, %cond3A : i32
    scf.if %cond3A_20 {
      %broadcast_in_dim3A_32 = arith.constant 0.000000e+00 : f32
      %broadcast_in_dim3A_33 = vector.broadcast %broadcast_in_dim3A_32 : f32 to vector<512x4xf32>
      %swap3A_34 = arith.constant 0 : index
      %swap3A_35 = arith.constant 0 : index
      %swap3A_36 = vector.load %arg3[%swap3A_34, %swap3A_35] : memref<512x4xf32, #tpu.memory_space<vmem>>, vector<512x4xf32>
      tpu.vector_store %arg3[%swap3A_34, %swap3A_35], %broadcast_in_dim3A_33 {strides = array<i32>} : memref<512x4xf32, #tpu.memory_space<vmem>>, vector<512x4xf32>,
    } else {
    }
    %get3A_21 = arith.constant 0 : index
    %get3A_22 = arith.constant 0 : index
    %get3A_23 = vector.load %arg3[%get3A_21, %get3A_22] : memref<512x4xf32, #tpu.memory_space<vmem>>, vector<512x4xf32>
    %dot_general3A = arith.constant dense<0.000000e+00> : vector<512x4xf32>
    %dot_general3A_24 = tpu.matmul %convert_element_type3A_16, %concatenate3A, %dot_general3A {dimension_numbers = #tpu.dot_dimension_numbers<[1], [0], [0], [1], [0, 0, 1, 1], [], []>, transpose_lhs_hint = false} : vector<512x2000xf32>, vector<2000x4xf32>, vector<512x4xf32> -> vector<512x4xf32>
    %add3A = arith.addf %get3A_23, %dot_general3A_24 : vector<512x4xf32>
    %swap3A = arith.constant 0 : index
    %swap3A_25 = arith.constant 0 : index
    %swap3A_26 = vector.load %arg3[%swap3A, %swap3A_25] : memref<512x4xf32, #tpu.memory_space<vmem>>, vector<512x4xf32>
    tpu.vector_store %arg3[%swap3A, %swap3A_25], %add3A {strides = array<i32>} : memref<512x4xf32, #tpu.memory_space<vmem>>, vector<512x4xf32>,
    %eq3A_27 = arith.constant 49 : i32
    %eq3A_28 = arith.cmpi eq, %arg0, %eq3A_27 : i32
    %convert_element_type3A_29 = arith.extui %eq3A_28 : i1 to i32
    %cond3A_30 = arith.constant 0 : i32
    %cond3A_31 = arith.cmpi ne, %convert_element_type3A_29, %cond3A_30 : i32
    scf.if %cond3A_31 {
      %get3A_32 = arith.constant 0 : index
      %get3A_33 = arith.constant 0 : index
      %get3A_34 = vector.load %arg3[%get3A_32, %get3A_33] : memref<512x4xf32, #tpu.memory_space<vmem>>, vector<512x4xf32>
      %slice3A = vector.extract_strided_slice %get3A_34 {offsets = [0, 0], sizes = [512, 1], strides = [1, 1]} : vector<512x4xf32> to vector<512x1xf32>
      %slice3A_35 = vector.extract_strided_slice %get3A_34 {offsets = [0, 1], sizes = [512, 1], strides = [1, 1]} : vector<512x4xf32> to vector<512x1xf32>
      %slice3A_36 = vector.extract_strided_slice %get3A_34 {offsets = [0, 2], sizes = [512, 1], strides = [1, 1]} : vector<512x4xf32> to vector<512x1xf32>
      %max3A = arith.constant 1.000000e+00 : f32
      %max3A_37 = vector.broadcast %max3A : f32 to vector<512x1xf32>
      %max3A_38 = arith.maximumf %slice3A, %max3A_37 : vector<512x1xf32>
      %mul3A_39 = arith.constant 1.280000e+02 : f32
      %mul3A_40 = vector.broadcast %mul3A_39 : f32 to vector<512x1xf32>
      %mul3A_41 = arith.mulf %max3A_38, %mul3A_40 : vector<512x1xf32>
      %div3A = arith.divf %slice3A_35, %mul3A_41 : vector<512x1xf32>
      %div3A_42 = arith.divf %slice3A_36, %mul3A_41 : vector<512x1xf32>
      %mul3A_43 = arith.mulf %div3A, %div3A : vector<512x1xf32>
      %sub3A = arith.subf %div3A_42, %mul3A_43 : vector<512x1xf32>
      %max3A_44 = arith.constant 0.000000e+00 : f32
      %max3A_45 = vector.broadcast %max3A_44 : f32 to vector<512x1xf32>
      %max3A_46 = arith.maximumf %sub3A, %max3A_45 : vector<512x1xf32>
      %sqrt3A = math.sqrt %max3A_46 : vector<512x1xf32>
      %add3A_47 = arith.constant 9.99999974E-6 : f32
      %add3A_48 = vector.broadcast %add3A_47 : f32 to vector<512x1xf32>
      %add3A_49 = arith.addf %sqrt3A, %add3A_48 : vector<512x1xf32>
      %div3A_50 = arith.constant 1.000000e+00 : f32
      %div3A_51 = vector.broadcast %div3A_50 : f32 to vector<512x1xf32>
      %div3A_52 = arith.divf %div3A_51, %add3A_49 : vector<512x1xf32>
      %swap3A_53 = arith.constant 0 : index
      %swap3A_54 = arith.constant 0 : index
      %swap3A_55 = vector.load %arg4[%swap3A_53, %swap3A_54] : memref<520x1xf32, #tpu.memory_space<vmem>>, vector<512x1xf32>
      tpu.vector_store %arg4[%swap3A_53, %swap3A_54], %div3A {strides = array<i32>} : memref<520x1xf32, #tpu.memory_space<vmem>>, vector<512x1xf32>,
      %broadcast_in_dim3A_56 = arith.constant 0.000000e+00 : f32
      %broadcast_in_dim3A_57 = vector.broadcast %broadcast_in_dim3A_56 : f32 to vector<8x1xf32>
      %swap3A_58 = arith.constant 512 : index
      %swap3A_59 = arith.constant 0 : index
      %swap3A_60 = vector.load %arg4[%swap3A_58, %swap3A_59] : memref<520x1xf32, #tpu.memory_space<vmem>>, vector<8x1xf32>
      tpu.vector_store %arg4[%swap3A_58, %swap3A_59], %broadcast_in_dim3A_57 {strides = array<i32>} : memref<520x1xf32, #tpu.memory_space<vmem>>, vector<8x1xf32>,
      %swap3A_61 = arith.constant 0 : index
      %swap3A_62 = arith.constant 0 : index
      %swap3A_63 = vector.load %arg5[%swap3A_61, %swap3A_62] : memref<520x1xf32, #tpu.memory_space<vmem>>, vector<512x1xf32>
      tpu.vector_store %arg5[%swap3A_61, %swap3A_62], %div3A_52 {strides = array<i32>} : memref<520x1xf32, #tpu.memory_space<vmem>>, vector<512x1xf32>,
      %broadcast_in_dim3A_64 = arith.constant 0.000000e+00 : f32
      %broadcast_in_dim3A_65 = vector.broadcast %broadcast_in_dim3A_64 : f32 to vector<8x1xf32>
      %swap3A_66 = arith.constant 512 : index
      %swap3A_67 = arith.constant 0 : index
      %swap3A_68 = vector.load %arg5[%swap3A_66, %swap3A_67] : memref<520x1xf32, #tpu.memory_space<vmem>>, vector<8x1xf32>
      tpu.vector_store %arg5[%swap3A_66, %swap3A_67], %broadcast_in_dim3A_65 {strides = array<i32>} : memref<520x1xf32, #tpu.memory_space<vmem>>, vector<8x1xf32>,
    } else {
    }
    return
  }
  func.func @transform_0(%arg0: i32) -> (i32, i32) {
    %c0_i32 = arith.constant 0 : i32
    %c0_i32_0 = arith.constant 0 : i32
    return %arg0, %c0_i32 : i32, i32
  }
  func.func @transform_1(%arg0: i32) -> (i32, i32, i32) {
    %c0_i32 = arith.constant 0 : i32
    %c0_i32_0 = arith.constant 0 : i32
    %c0_i32_1 = arith.constant 0 : i32
    return %arg0, %c0_i32, %c0_i32_0 : i32, i32, i32
  }
  func.func @transform_2(%arg0: i32) -> (i32, i32) {
    %c0_i32 = arith.constant 0 : i32
    %c0_i32_0 = arith.constant 0 : i32
    %c0_i32_1 = arith.constant 0 : i32
    return %c0_i32, %c0_i32_0 : i32, i32
  }
  func.func @transform_3(%arg0: i32) -> (i32, i32) {
    %c0_i32 = arith.constant 0 : i32
    %c0_i32_0 = arith.constant 0 : i32
    %c0_i32_1 = arith.constant 0 : i32
    return %c0_i32, %c0_i32_0 : i32, i32
  }
  func.func @transform_4(%arg0: i32) -> (i32, i32) {
    %c0_i32 = arith.constant 0 : i32
    %c0_i32_0 = arith.constant 0 : i32
    %c0_i32_1 = arith.constant 0 : i32
    return %c0_i32, %c0_i32_0 : i32, i32
  }
}

module attributes {stable_mosaic.version = 14 : i64} {
  func.func @_pass2_body(%arg0: i32, %arg1: memref<2048x128xf32, #tpu.memory_space<vmem>>, %arg2: memref<1x1x2048xf32, #tpu.memory_space<vmem>>, %arg3: memref<1x1x2048xf32, #tpu.memory_space<vmem>>, %arg4: memref<1x128xf32, #tpu.memory_space<vmem>>, %arg5: memref<1x128xf32, #tpu.memory_space<vmem>>, %arg6: memref<2048x128xf32, #tpu.memory_space<vmem>>) attributes {dimension_semantics = [#tpu.dimension_semantics<arbitrary>], iteration_bounds = array<i64: 49>, scalar_prefetch = 0 : i64, scratch_operands = 0 : i64, tpu.core_type = #tpu.core_type<tc>, window_params = [{transform_indices = @transform_0, window_bounds = array<i64: 2048, 128>}, {transform_indices = @transform_1, window_bounds = array<i64: 1, 1, 2048>}, {transform_indices = @transform_2, window_bounds = array<i64: 1, 1, 2048>}, {pipeline_mode = #tpu.pipeline_mode<synchronous>, transform_indices = @transform_3, window_bounds = array<i64: 1, 128>}, {pipeline_mode = #tpu.pipeline_mode<synchronous>, transform_indices = @transform_4, window_bounds = array<i64: 1, 128>}, {transform_indices = @transform_5, window_bounds = array<i64: 2048, 128>}]} {
    %get3A = arith.constant 0 : index
    %get3A_0 = arith.constant 0 : index
    %get3A_1 = vector.load %arg1[%get3A, %get3A_0] : memref<2048x128xf32, #tpu.memory_space<vmem>>, vector<2048x128xf32>
    %get3A_2 = arith.constant 0 : index
    %get3A_3 = arith.constant 0 : index
    %get3A_4 = arith.constant 0 : index
    %get3A_5 = vector.load %arg2[%get3A_2, %get3A_3, %get3A_4] : memref<1x1x2048xf32, #tpu.memory_space<vmem>>, vector<1x1x2048xf32>
    %get3A_6 = vector.shape_cast %get3A_5 : vector<1x1x2048xf32> to vector<1x2048xf32>
    %reshape3A = vector.shape_cast %get3A_6 : vector<1x2048xf32> to vector<2048x1xf32>
    %get3A_7 = arith.constant 0 : index
    %get3A_8 = arith.constant 0 : index
    %get3A_9 = arith.constant 0 : index
    %get3A_10 = vector.load %arg3[%get3A_7, %get3A_8, %get3A_9] : memref<1x1x2048xf32, #tpu.memory_space<vmem>>, vector<1x1x2048xf32>
    %get3A_11 = vector.shape_cast %get3A_10 : vector<1x1x2048xf32> to vector<1x2048xf32>
    %reshape3A_12 = vector.shape_cast %get3A_11 : vector<1x2048xf32> to vector<2048x1xf32>
    %sub3A = vector.broadcast %reshape3A : vector<2048x1xf32> to vector<2048x128xf32>
    %sub3A_13 = arith.subf %get3A_1, %sub3A : vector<2048x128xf32>
    %mul3A = vector.broadcast %reshape3A_12 : vector<2048x1xf32> to vector<2048x128xf32>
    %mul3A_14 = arith.mulf %sub3A_13, %mul3A : vector<2048x128xf32>
    %get3A_15 = arith.constant 0 : index
    %get3A_16 = arith.constant 0 : index
    %get3A_17 = vector.load %arg4[%get3A_15, %get3A_16] : memref<1x128xf32, #tpu.memory_space<vmem>>, vector<1x128xf32>
    %mul3A_18 = vector.broadcast %get3A_17 : vector<1x128xf32> to vector<2048x128xf32>
    %mul3A_19 = arith.mulf %mul3A_14, %mul3A_18 : vector<2048x128xf32>
    %get3A_20 = arith.constant 0 : index
    %get3A_21 = arith.constant 0 : index
    %get3A_22 = vector.load %arg5[%get3A_20, %get3A_21] : memref<1x128xf32, #tpu.memory_space<vmem>>, vector<1x128xf32>
    %add3A = vector.broadcast %get3A_22 : vector<1x128xf32> to vector<2048x128xf32>
    %add3A_23 = arith.addf %mul3A_19, %add3A : vector<2048x128xf32>
    %swap3A = arith.constant 0 : index
    %swap3A_24 = arith.constant 0 : index
    %swap3A_25 = vector.load %arg6[%swap3A, %swap3A_24] : memref<2048x128xf32, #tpu.memory_space<vmem>>, vector<2048x128xf32>
    tpu.vector_store %arg6[%swap3A, %swap3A_24], %add3A_23 {strides = array<i32>} : memref<2048x128xf32, #tpu.memory_space<vmem>>, vector<2048x128xf32>,
    return
  }
  func.func @transform_0(%arg0: i32) -> (i32, i32) {
    %c0_i32 = arith.constant 0 : i32
    %c0_i32_0 = arith.constant 0 : i32
    return %arg0, %c0_i32 : i32, i32
  }
  func.func @transform_1(%arg0: i32) -> (i32, i32, i32) {
    %c0_i32 = arith.constant 0 : i32
    %c0_i32_0 = arith.constant 0 : i32
    %c0_i32_1 = arith.constant 0 : i32
    return %arg0, %c0_i32, %c0_i32_0 : i32, i32, i32
  }
  func.func @transform_2(%arg0: i32) -> (i32, i32, i32) {
    %c0_i32 = arith.constant 0 : i32
    %c0_i32_0 = arith.constant 0 : i32
    %c0_i32_1 = arith.constant 0 : i32
    return %arg0, %c0_i32, %c0_i32_0 : i32, i32, i32
  }
  func.func @transform_3(%arg0: i32) -> (i32, i32) {
    %c0_i32 = arith.constant 0 : i32
    %c0_i32_0 = arith.constant 0 : i32
    %c0_i32_1 = arith.constant 0 : i32
    return %c0_i32, %c0_i32_0 : i32, i32
  }
  func.func @transform_4(%arg0: i32) -> (i32, i32) {
    %c0_i32 = arith.constant 0 : i32
    %c0_i32_0 = arith.constant 0 : i32
    %c0_i32_1 = arith.constant 0 : i32
    return %c0_i32, %c0_i32_0 : i32, i32
  }
  func.func @transform_5(%arg0: i32) -> (i32, i32) {
    %c0_i32 = arith.constant 0 : i32
    %c0_i32_0 = arith.constant 0 : i32
    return %arg0, %c0_i32 : i32, i32
  }
}

</mosaic_0001>

<sc_bundles>
// kernel: kernel.5.cloned.1.call-start
scs
__scs_entry_jumppad:
0x0: {  	(pc) =	sbr.rel $0x88, $3  }
0x1: {  	(tag) =	ssettag $0x0;
	lr =	simm.s32 $0x1  }
0x2: {  	[smem:$0x3F9D] =	sst lr;
	_ =	strace $0xD0000000  }
0x3: {  	_ = 	snop  }
0x4: {  	_ = 	snop  }
0x5: {  	_ = 	snop  }
0x6: {  	_ = 	snop  }
0x7: {  	_ = 	snop  }
__scs_overlays_trampoline_lowered:
0x8: {  	[smem:$0x3FAC] =	sst s0  }
0x9: {  	[smem:$0x3FAD] =	sst s1  }
0xa: {  	[smem:$0x3FAE] =	sst s2  }
0xb: {  	[smem:$0x3FAF] =	sst s3  }
0xc: {  	[smem:$0x3FB0] =	sst s4  }
0xd: {  	[smem:$0x3FB1] =	sst s5  }
0xe: {  	[smem:$0x3FB2] =	sst s6  }
0xf: {  	[smem:$0x3FB3] =	sst s7  }
0x10: {  	[smem:$0x3FB4] =	sst s8  }
0x11: {  	[smem:$0x3FB5] =	sst s9;
	s0 =	simm.s32 @!p0 $0x0  }
0x12: {  	s1 =	sld [smem:$0x3F9B];
	s0 =	simm.s32 @p0 $0x1  }
0x13: {  	[smem:$0x3FB6] =	sst s0;
	s0 =	simm.s32 @!p1 $0x0  }
0x14: {  	s2 =	sld [smem:$0x3F9A];
	s0 =	simm.s32 @p1 $0x1  }
0x15: {  	[smem:$0x3FB7] =	sst s0;
	s0 =	simm.s32 @!p2 $0x0  }
0x16: {  	s3 =	sld [smem:$0x3FDB];
	s0 =	simm.s32 @p2 $0x1  }
0x17: {  	s4 =	simm.s32 $0x1BF5;
	[smem:$0x3FB9] =	sst s0  }
0x18: {  	s0 =	sld [smem:$0x3F9C];
	_ =	swait.ge [sflag:s4], $0x0  }
0x19: {  	s7 =	sld [smem:$0x3F9D]  }
0x1a: {  	s8 =	sadd.s32 $0xFFFFE003, lr  }
0x1b: {  	s9 =	sadd.s32 $0xFFFFFEF7, lr;
	s5 =	simm.s32 $0xFFFFFFFF;
	p2 =	slt.u32 s8, $0xFFFFF086  }
0x1c: {  	p1 =	slt.u32 s9, $0xF7A;
	s5 =	simm.s32 @!p2 $0x0  }
0x1d: {  	s5 =	simm.s32 @p1 $0x1;
	p0 =	seq.s32 s7, s2  }
0x1e: {  	s7 =	smul.u32 @!p0 $0xF7A, s2;
	p2 =	seq.s32 @!p0 s5, $0x0  }
0x1f: {  	s9 =	smul.u32 $0xF7A, s1;
	s8 =	simm.s32 @!p0 $0x1BF5;
	p2 =	por !p2, p0  }
0x20: {  	[sflag:s8] =	ssyncset.s32 @!p0 $0xFFFFF086;
	s6 =	sadd.s32 @!p0 s3, s7;
	s7 =	simm.s32 @!p0 $0x108  }
0x21: {  	s3 =	sadd.s32 s3, s9;
	s6 =	sadd.s32 @!p0 $0x88, s6;
	s7 =	simm.s32 @p2 $0x1082  }
0x22: {  	[simem:s7], [sflag:s8] =	dma.local @!p0 [hbm:s6], $0xF7A  }
0x23: {  	s9 =	sor.u32 $0xD0000000, s2;
	s6 =	simm.s32 $0x108;
	_ =	swait.ge @!p0 [sflag:s8], $0x0  }
0x24: {  	s3 =	sadd.s32 $0x88, s3;
	s6 =	simm.s32 @!p1 $0x1082;
	[sflag:s4] =	ssyncset.s32 $0xFFFFF086  }
0x25: {  	[simem:s6], [sflag:s4] =	dma.local [hbm:s3], $0xF7A  }
0x26: {  	[smem:$0x3F9D] =	sst s1;
	(tag) =	ssettag s2;
	_ =	strace s9  }
0x27: {  	s1 =	sld [smem:$0x3FAD]  }
0x28: {  	s2 =	sld [smem:$0x3FAE]  }
0x29: {  	s4 =	sld [smem:$0x3FB0]  }
0x2a: {  	p0 =	seq.s32 s5, $0x0;
	s5 =	sld [smem:$0x3FB1]  }
0x2b: {  	s6 =	sld [smem:$0x3FB2]  }
0x2c: {  	s7 =	sld [smem:$0x3FB3]  }
0x2d: {  	s3 =	simm.s32 $0x108;
	s8 =	sld [smem:$0x3FB4]  }
0x2e: {  	s3 =	simm.s32 @!p0 $0x1082;
	s9 =	sld [smem:$0x3FB5]  }
0x2f: {  	lr =	sadd.s32 s0, s3;
	s0 =	sld [smem:$0x3FAC]  }
0x30: {  	s3 =	sld [smem:$0x3FAF]  }
0x31: {  	[smem:$0x3FB8] =	sst s10  }
0x32: {  	s10 =	sld [smem:$0x3FB6];
	_ =	sdelay $0x3  }
0x33: {  	p0 =	seq.s32 s10, $0x1;
	s10 =	sld [smem:$0x3FB8];
	_ =	sdelay $0x3  }
0x34: {  	[smem:$0x3FB8] =	sst s10  }
0x35: {  	s10 =	sld [smem:$0x3FB7];
	_ =	sdelay $0x3  }
0x36: {  	p1 =	seq.s32 s10, $0x1;
	s10 =	sld [smem:$0x3FB8];
	_ =	sdelay $0x3  }
0x37: {  	[smem:$0x3FB8] =	sst s10  }
0x38: {  	s10 =	sld [smem:$0x3FB9]  }
0x39: {  	_ = 	snop;
	(pc) =	sbr.ind lr, $3  }
0x3a: {  	_ = 	snop  }
0x3b: {  	_ = 	snop  }
0x3c: {  	p2 =	seq.s32 s10, $0x1;
	s10 =	sld [smem:$0x3FB8]  }
0x3d: {  	_ =	shalt  }
0x3e: {  	_ =	shalt  }
0x3f: {  	_ =	shalt  }
0x40: {  	_ =	shalt  }
0x41: {  	_ =	shalt  }
0x42: {  	_ =	shalt  }
0x43: {  	_ =	shalt  }
0x44: {  	_ =	shalt  }
0x45: {  	_ =	shalt  }
0x46: {  	_ =	shalt  }
0x47: {  	_ =	shalt  }
0x48: {  	_ =	shalt  }
0x49: {  	_ =	shalt  }
0x4a: {  	_ =	shalt  }
0x4b: {  	_ =	shalt  }
0x4c: {  	_ =	shalt  }
0x4d: {  	_ =	shalt  }
0x4e: {  	_ =	shalt  }
0x4f: {  	_ =	shalt  }
0x50: {  	_ =	shalt  }
0x51: {  	_ =	shalt  }
0x52: {  	_ =	shalt  }
0x53: {  	_ =	shalt  }
0x54: {  	_ =	shalt  }
0x55: {  	_ =	shalt  }
0x56: {  	_ =	shalt  }
0x57: {  	_ =	shalt  }
0x58: {  	_ =	shalt  }
0x59: {  	_ =	shalt  }
0x5a: {  	_ =	shalt  }
0x5b: {  	_ =	shalt  }
0x5c: {  	_ =	shalt  }
0x5d: {  	_ =	shalt  }
0x5e: {  	_ =	shalt  }
0x5f: {  	_ =	shalt  }
0x60: {  	_ =	shalt  }
0x61: {  	_ =	shalt  }
0x62: {  	_ =	shalt  }
0x63: {  	_ =	shalt  }
0x64: {  	_ =	shalt  }
0x65: {  	_ =	shalt  }
0x66: {  	_ =	shalt  }
0x67: {  	_ =	shalt  }
0x68: {  	_ =	shalt  }
0x69: {  	_ =	shalt  }
0x6a: {  	_ =	shalt  }
0x6b: {  	_ =	shalt  }
0x6c: {  	_ =	shalt  }
0x6d: {  	_ =	shalt  }
0x6e: {  	_ =	shalt  }
0x6f: {  	_ =	shalt  }
0x70: {  	_ =	shalt  }
0x71: {  	_ =	shalt  }
0x72: {  	_ =	shalt  }
0x73: {  	_ =	shalt  }
0x74: {  	_ =	shalt  }
0x75: {  	_ =	shalt  }
0x76: {  	_ =	shalt  }
0x77: {  	_ =	shalt  }
0x78: {  	_ =	shalt  }
0x79: {  	_ =	shalt  }
0x7a: {  	_ =	shalt  }
0x7b: {  	_ =	shalt  }
0x7c: {  	_ =	shalt  }
0x7d: {  	_ =	shalt  }
0x7e: {  	_ =	shalt  }
0x7f: {  	_ =	shalt  }
0x80: {  	_ =	shalt  }
0x81: {  	_ =	shalt  }
0x82: {  	_ =	shalt  }
0x83: {  	_ =	shalt  }
0x84: {  	_ =	shalt  }
0x85: {  	_ =	shalt  }
0x86: {  	_ =	shalt  }
0x87: {  	_ =	shalt  }
.Lfunc_end0:
.L_simem_size_0:
called_computation_lowered:
.L_overlay_start_0:
0x88: {  	s2 =	sld [smem:$0x3FD9]  }
0x89: {  	s3 =	sld [smem:$0x3FFE];
	_ =	sdelay $0x1  }
0x8a: {  	s1 =	srdreg.scid  }
0x8b: {  	s0 =	sand.u32 $0x1, s1  }
0x8c: {  	s17 =	sshll.u32 s0, $0xA;
	s2 =	sadd.s32 s3, s2  }
0x8d: {  	s2 =	sadd.s32 s2, s17  }
0x8e: {  	[smem:$0x3FC4] =	sst s2  }
0x8f: {  	_ = 	snop  }
0x90: {  	s2 =	sld [smem:$0x3FD0];
	(tm) =	ssettm $0x1  }
0x91: {  	s18 =	sld [smem:$0x3FFB];
	_ =	sdelay $0x3  }
0x92: {  	_ =	strace s18  }
0x93: {  	s3 =	sld [smem:$0x3FFC];
	_ =	sdelay $0x3  }
0x94: {  	_ =	strace s3  }
0x95: {  	s3 =	sld [smem:$0x3FFD];
	_ =	sdelay $0x3  }
0x96: {  	_ =	strace s3  }
0x97: {  	_ =	strace $0x8FFFFFFF  }
0x98: {  	s19 =	sld [smem:$0x3FDB];
	_ =	sdelay $0x1  }
0x99: {  	s4 =	simm.s32 $_scs_section_size  }
0x9a: {  	s5 =	simm.s32 $_size__tile_overlayer_lowered;
	s6 =	simm.s32 $_tile_overlayer_lowered  }
0x9b: {  	s22 =	simm.s32 $0x1BFF;
	s21 =	sshll.u32 s6, $0x1;
	s3 =	sadd.s32 s4, s19  }
0x9c: {  	s7 =	simm.s32 $0x0;
	s20 =	sshll.u32 s5, $0x1;
	s5 =	sadd.s32 s21, s3  }
0x9d: {  	[timem:s7], [sflag:s22] =	dma.local [hbm:s5], s20  }
0x9e: {  	_ =	swait.ge [sflag:s22], s20  }
0x9f: {  	s4 =	ssub.s32 $0x0, s20;
	[sflag:s22] =	ssyncset.done $0x0  }
0xa0: {  	[sflag:s22] =	ssyncadd.s32 s4;
	_ =	sdelay $0x1  }
0xa1: {  	s23 =	simm.s32 $0x1B8B  }
0xa2: {  	_ =	swait.ge [sflag:s23], $0x1  }
0xa3: {  	[sflag:s23] =	ssyncset.done $0x0  }
0xa4: {  	s25 =	simm.s32 $0x1B8E;
	s24 =	sld [smem:$0x3FFE];
	[sflag:s23] =	ssyncadd.s32 $0xFFFFFFFF  }
0xa5: {  	s26 =	simm.s32 $execute0_lowered;
	[smem:$0x3FD2] =	sst s25  }
0xa6: {  	s5 =	sshll.u32 s26, $0x1;
	_ =	strace $0x80000046;
	[dreg:$0x1] =	wrdreg $0xFFFFFFFF  }
0xa7: {  	s28 =	simm.s32 $_size_execute0_lowered;
	s3 =	sadd.s32 s3, s5;
	[dreg:$0x0] =	wrdreg $0x0  }
0xa8: {  	s5 =	sshll.u32 s28, $0x1;
	[dreg:$0x2] =	wrdreg s3  }
0xa9: {  	[dreg:$0x3] =	wrdreg s5  }
0xaa: {  	[dreg:$0x4] =	wrdreg $0xC0  }
0xab: {  	_ =	task [dreg:s7], $0x5FFFF  }
0xac: {  	[dreg:$0x1] =	wrdreg $0xFFFFFFFF  }
0xad: {  	[dreg:$0x0] =	wrdreg $0x60  }
0xae: {  	[dreg:$0x2] =	wrdreg s2  }
0xaf: {  	[dreg:$0x3] =	wrdreg s24  }
0xb0: {  	[dreg:$0x4] =	wrdreg $0x9  }
0xb1: {  	_ =	task.clear_ibuf [dreg:s7], $0x5FFFF;
	_ =	strace $0x90000046  }
0xb2: {  	s29 =	simm.s32 $0x9;
	_ =	strace $0x80000048  }
0xb3: {  	_ =	swait.ge [sflag:s29], $0x1  }
0xb4: {  	[sflag:s29] =	ssyncadd.s32 $0xFFFFFFFF  }
0xb5: {  	_ =	strace $0x90000048  }
0xb6: {  	_ =	sfence  }
0xb7: {  	s30 =	sld [smem:$0x0];
	_ =	sdelay $0x2  }
0xb8: {  	s31 =	sshll.u32 s1, $0xD;
	s1 =	sshrl.u32 s1, $0x2  }
0xb9: {  	s3 =	sand.u32 $0x4000, s31;
	s1 =	sadd.s32 s1, s30  }
0xba: {  	s0 =	sor.u32 s3, s0;
	s1 =	sshll.u32 s1, $0x11  }
0xbb: {  	s0 =	sor.u32 s1, s0  }
0xbc: {  	s0 =	sadd.s32 $0x8F2B, s0  }
0xbd: {  	[sflag:s0] =	ssyncadd.remote.s32 $0x1  }
0xbe: {  	_ =	sfence.sel $0xFFFF  }
0xbf: {  	[dreg:$0x0] =	wrdreg $0xFFFFFFFF;
	(pc) =	sbr.abs _section_cstart, $3  }
0xc0: {  	[dreg:$0x1] =	wrdreg $0xFFFFFFFF  }
0xc1: {  	_ =	task.clear_ibuf [dreg:s7], $0x2FFFF;
	_ =	strace $0x9FFFFFFF  }
0xc2: {  	(tm) =	ssettm $0x7FFFFFFF  }
0xc3: {  	_ =	shalt  }
tec
execute0_lowered:
.L_overlay_start_1:
0x0: {  	(tag) =	ssettag $0x1  }
0x1: {  	s1 =	srdreg.scid;
	s0 =	stileid.u32  }
0x2: {  	s3 =	rddreg [dreg:$0x0];
	s11 =	sand.u32 $0x1, s1;
	s30 =	sshll.u32 s0, $0x1  }
0x3: {  	s12 =	rddreg [dreg:$0x1];
	s4 =	sor.u32 s11, s30  }
0x4: {  	s2 =	simm.s32 $0x0;
	s1 =	rddreg [dreg:$0x2];
	s13 =	smul.u32 $0x188, s4  }
0x5: {  	[smem:$0x7FF] =	sst s2  }
0x6: {  	_ =	strace $0x80000047;
	s4 =	sadd.s32 s3, s13;
	s3 =	simm.s32 $0x2  }
0x7: {  	[tilespmem:s2], [sflag:$0x2] =	stream.linear.gather [hbm4b:s4+s2], $0xC40, $0x38;
	[tilespmem:$0x2580] =	vst v63  }
0x8: {  	_ =	swait.ge [sflag:s3], $0xC40  }
0x9: {  	s6 =	simm.s32 $0xC40;
	s7 =	simm.s32 $0xC80;
	[sflag:s3] =	ssyncset.done $0x0  }
0xa: {  	s8 =	simm.s32 $0x1;
	s5 =	sadd.s32 $0xA00, s12;
	[sflag:s3] =	ssyncadd.s32 $0xFFFFF3C0  }
0xb: {  	[tilespmem:s7], [sflag:$0x1] =	stream.indirect.gather [hbm4b:s5+s6], $0x1, s2, s6, $0xb8;
	[tilespmem:$0x2580] =	vst v63  }
0xc: {  	_ =	swait.ge [sflag:s8], $0xC40  }
0xd: {  	s10 =	simm.s32 $0x1900;
	[sflag:s8] =	ssyncset.done $0x0  }
0xe: {  	s9 =	sadd.s32 $0x800, s12;
	s31 =	ssub.s32 $0x2, s11;
	[sflag:s8] =	ssyncadd.s32 $0xFFFFF3C0  }
0xf: {  	[tilespmem:s10], [sflag:$0x1] =	stream.indirect.gather [hbm4b:s9+s6], $0x1, s2, s6, $0xb8;
	[tilespmem:$0x2580] =	vst v63  }
0x10: {  	s14 =	sshrl.u32 s31, $0x1;
	_ =	swait.ge [sflag:s8], $0xC40  }
0x11: {  	s12 =	sadd.s32 s13, s12;
	s13 =	ssub.s32 s31, s14;
	[sflag:s8] =	ssyncset.done $0x0  }
0x12: {  	s11 =	sadd.s32 $0xC00, s12;
	s13 =	smax.u32 s13, $0x1;
	[sflag:s8] =	ssyncadd.s32 $0xFFFFF3C0  }
0x13: {  	[hbm4b:s11+s2] =	stream.linear.scatter [tilespmem:s7], [sflag:$0x2], $0xC40, $0x38;
	[tilespmem:$0x2580] =	vst v63  }
0x14: {  	p0 =	sne.s32 s13, $0x1;
	_ =	swait.ge [sflag:s3], $0xC40  }
.Ltmp0:
0x15: {  	[sflag:s3] =	ssyncset.done $0x0;
	(pc) =	sbr.rel @!p0 .LBB2_2-.Ltmp0, $4  }
0x16: {  	s12 =	sadd.s32 $0x3E00, s12;
	[sflag:s3] =	ssyncadd.s32 $0xFFFFF3C0  }
0x17: {  	[hbm4b:s12+s2] =	stream.linear.scatter [tilespmem:s10], [sflag:$0x2], $0xC40, $0x38;
	[tilespmem:$0x2580] =	vst v63  }
0x18: {  	_ =	swait.ge [sflag:s3], $0xC40  }
0x19: {  	s13 =	sadd.s32 $0xFFFFFFFF, s13;
	[sflag:s3] =	ssyncset.done $0x0  }
.LBB2_1:
0x1a: {  	p0 =	sne.s32 s13, $0x1;
	s13 =	sadd.s32 $0xFFFFFFFF, s13;
	[sflag:s3] =	ssyncadd.s32 $0xFFFFF3C0  }
0x1b: {  	[tilespmem:s2], [sflag:$0x2] =	stream.linear.gather [hbm4b:s4+s2], $0xC40, $0x38;
	[tilespmem:$0x2580] =	vst v63  }
0x1c: {  	_ =	swait.ge [sflag:s3], $0xC40  }
0x1d: {  	[sflag:s3] =	ssyncset.done $0x0  }
0x1e: {  	[sflag:s3] =	ssyncadd.s32 $0xFFFFF3C0  }
0x1f: {  	[tilespmem:s7], [sflag:$0x1] =	stream.indirect.gather [hbm4b:s5+s6], $0x1, s2, s6, $0xb8;
	[tilespmem:$0x2580] =	vst v63  }
0x20: {  	_ =	swait.ge [sflag:s8], $0xC40  }
0x21: {  	[sflag:s8] =	ssyncset.done $0x0  }
0x22: {  	[sflag:s8] =	ssyncadd.s32 $0xFFFFF3C0  }
0x23: {  	[tilespmem:s10], [sflag:$0x1] =	stream.indirect.gather [hbm4b:s9+s6], $0x1, s2, s6, $0xb8;
	[tilespmem:$0x2580] =	vst v63  }
0x24: {  	_ =	swait.ge [sflag:s8], $0xC40  }
0x25: {  	[sflag:s8] =	ssyncset.done $0x0  }
0x26: {  	[sflag:s8] =	ssyncadd.s32 $0xFFFFF3C0  }
0x27: {  	[hbm4b:s11+s2] =	stream.linear.scatter [tilespmem:s7], [sflag:$0x2], $0xC40, $0x38;
	[tilespmem:$0x2580] =	vst v63  }
0x28: {  	_ =	swait.ge [sflag:s3], $0xC40  }
.Ltmp1:
0x29: {  	[sflag:s3] =	ssyncset.done $0x0;
	(pc) =	sbr.rel @p0 .LBB2_1-.Ltmp1, $4  }
0x2a: {  	[sflag:s3] =	ssyncadd.s32 $0xFFFFF3C0  }
0x2b: {  	[hbm4b:s12+s2] =	stream.linear.scatter [tilespmem:s10], [sflag:$0x2], $0xC40, $0x38;
	[tilespmem:$0x2580] =	vst v63  }
0x2c: {  	_ =	swait.ge [sflag:s3], $0xC40  }
0x2d: {  	[sflag:s3] =	ssyncset.done $0x0  }
.LBB2_2:
0x2e: {  	[sflag:s3] =	ssyncadd.s32 $0xFFFFF3C0  }
0x2f: {  	_ =	sfence.sel $0x180000  }
0x30: {  	[bflag:$0x0] =	sbarrier.arrive $0xFFFF  }
0x31: {  	p0 =	sne.s32 s0, $0x0;
	_ =	strace $0x90000047  }
0x32: {  	s0 =	sadd.s32 @!p0 $0x100000, s1;
	[bflag:$0x2] =	sbarrier.arrive $0xFFFF  }
0x33: {  	[sflag:s0] =	ssyncadd.tile.s32 @!p0 $0x1;
	_ =	shalt  }
.Lfunc_end2:
_tile_overlayer_lowered:
.L_overlay_start_2:
0x34: {  	(tag) =	ssettag $0x2  }
0x35: {  	s0 =	rddreg [dreg:$0x0];
	s2 =	stileid.u32  }
0x36: {  	s1 =	rddreg [dreg:$0x1];
	p0 =	sne.s32 s2, $0x0  }
0x37: {  	s3 =	rddreg [dreg:$0x2];
	[bflag:$0x3] =	sbarrier.arrive $0xFFFF;
	s2 =	simm.s32 @!p0 $0x1C02  }
0x38: {  	[timem:s3], [sflag:s2] =	dma.local @!p0 [hbm:s0], s1  }
0x39: {  	s0 =	simm.s32 @!p0 $0x2  }
0x3a: {  	_ =	swait.ge @!p0 [sflag:s0], s1  }
0x3b: {  	s1 =	ssub.s32 @!p0 $0x0, s1;
	[sflag:s0] =	ssyncset.done @!p0 $0x0  }
0x3c: {  	[sflag:s0] =	ssyncadd.s32 @!p0 s1  }
0x3d: {  	[bflag:$0x3] =	sbarrier.arrive $0xFFFF  }
0x3e: {  	_ =	shalt  }

</sc_bundles>
